<compile_context>
chip_gen: v7x
topology: tpu7x:2x2x1
jax: 0.10.2.dev20260603
libtpu: 0.0.44.dev20260713+nightly
codegen_flags: <defaults>
</compile_context>

<pallas_src>
import functools

import jax
import jax.numpy as jnp
from jax import lax
from jax.experimental import pallas as pl
from jax.experimental.pallas import tpu as pltpu
from jax.experimental.pallas import tpu_sc as plsc

_NUM_CORES = 2
_NUM_SUBCORES = 16
_NUM_WORKERS = _NUM_CORES * _NUM_SUBCORES


@functools.lru_cache(maxsize=None)
def _make_sc_gather(total_rows: int, d_model: int, n_chunks: int = 4):
    assert total_rows % (8 * _NUM_WORKERS) == 0
    rows_per_worker = total_rows // _NUM_WORKERS
    assert rows_per_worker % n_chunks == 0
    chunk = rows_per_worker // n_chunks
    mesh = plsc.VectorSubcoreMesh(
        core_axis_name="c", subcore_axis_name="s",
        num_cores=_NUM_CORES, num_subcores=_NUM_SUBCORES)

    @functools.partial(
        pl.kernel,
        mesh=mesh,
        out_type=jax.ShapeDtypeStruct((total_rows, d_model), jnp.float32),
        scratch_types=[
            pltpu.VMEM((rows_per_worker,), jnp.int32),
            pltpu.VMEM((rows_per_worker, d_model), jnp.float32),
            pltpu.SemaphoreType.DMA,
            pltpu.SemaphoreType.DMA,
        ],
    )
    def sc_gather(table_hbm, idx_hbm, out_hbm, idx_v, rows_v, gsem, wsem):
        wid = lax.axis_index("s") * _NUM_CORES + lax.axis_index("c")
        base = wid * rows_per_worker
        pltpu.sync_copy(idx_hbm.at[pl.ds(base, rows_per_worker)], idx_v)
        gathers, writebacks = [], []
        for c in range(n_chunks):
            g = pltpu.make_async_copy(
                table_hbm.at[idx_v.at[pl.ds(c * chunk, chunk)]],
                rows_v.at[pl.ds(c * chunk, chunk)], gsem)
            g.start()
            gathers.append(g)
        for c in range(n_chunks):
            gathers[c].wait()
            wb = pltpu.make_async_copy(
                rows_v.at[pl.ds(c * chunk, chunk)],
                out_hbm.at[pl.ds(base + c * chunk, chunk)], wsem)
            wb.start()
            writebacks.append(wb)
        for wb in writebacks:
            wb.wait()

    return sc_gather


def _matmul_body(lang_ref, x_ref, w_ref, b_ref, o_ref):
    del lang_ref
    acc = jax.lax.dot_general(
        x_ref[...], w_ref[0],
        dimension_numbers=(((1,), (1,)), ((), ())),
        preferred_element_type=jnp.float32)
    o_ref[...] = acc + b_ref[0]


@functools.lru_cache(maxsize=None)
def _make_tc_matmul(n_seq: int, seq_len: int, d_model: int, blk: int):
    n_tiles = seq_len // blk
    grid_spec = pltpu.PrefetchScalarGridSpec(
        num_scalar_prefetch=1,
        grid=(n_seq, n_tiles),
        in_specs=[
            pl.BlockSpec((blk, d_model),
                         lambda n, t, lang: (n * n_tiles + t, 0)),
            pl.BlockSpec((1, d_model, d_model),
                         lambda n, t, lang: (lang[n], 0, 0)),
            pl.BlockSpec((1, 1, d_model),
                         lambda n, t, lang: (lang[n], 0, 0)),
        ],
        out_specs=pl.BlockSpec((blk, d_model),
                               lambda n, t, lang: (n * n_tiles + t, 0)),
    )
    return pl.pallas_call(
        _matmul_body,
        grid_spec=grid_spec,
        out_shape=jax.ShapeDtypeStruct((n_seq * seq_len, d_model), jnp.float32),
    )


def kernel(sequences, embed_table, W, b):
    n_seq, seq_len = sequences.shape
    d_model = embed_table.shape[1]
    lang_ids = sequences[:, 0].astype(jnp.int32)
    flat_idx = sequences.reshape(n_seq * seq_len).astype(jnp.int32)
    rows = _make_sc_gather(n_seq * seq_len, d_model)(embed_table, flat_idx)
    out = _make_tc_matmul(n_seq, seq_len, d_model, 2048)(
        lang_ids, rows, W, b.reshape(b.shape[0], 1, d_model))
    return out.reshape(n_seq, seq_len, d_model)

# --- scband reference (transcript-rebuilt; emitter-appended) ---
"""Pipeline reference for scband-per-lang-embedding-22479858827436 (READ-ONLY COPY).

The authoritative reference and input builder live on the scoring server;
editing this copy changes nothing except your own understanding.
"""

import jax, jax.numpy as jnp
import numpy as np

VOCAB = 100000
D_MODEL = 768
N_LANG_LAYERS = 8
BATCH = 2
SEQ = 2048


def setup_inputs(seed: int = 0) -> dict:
    key = jax.random.key(seed)
    k1, k2, k3 = jax.random.split(key, 3)
    sequences = jax.random.randint(k1, (BATCH, SEQ), 0, VOCAB)
    # first token of each sequence is the language id (routes to one of the per-lang layers)
    sequences = sequences.at[:, 0].set(jnp.arange(BATCH) % N_LANG_LAYERS)
    embed_table = jax.random.normal(k2, (VOCAB, D_MODEL), dtype=jnp.float32) * 0.02
    # torch nn.Linear weights: [out_features, in_features], stacked per language layer
    W = jax.random.normal(k3, (N_LANG_LAYERS, D_MODEL, D_MODEL), dtype=jnp.float32) * (1.0 / np.sqrt(D_MODEL))
    b = jnp.zeros((N_LANG_LAYERS, D_MODEL), dtype=jnp.float32)
    return {"sequences": sequences, "embed_table": embed_table, "W": W, "b": b}


def reference(sequences, embed_table, W, b):
    N, P = sequences.shape
    lang_indices = sequences[:, 0]                       # [N] language id per sequence
    flat_sequences = jnp.take(embed_table, sequences, axis=0).reshape(N * P, -1)  # [N*P, d_model]
    token_lang = jnp.repeat(lang_indices, P)             # broadcast seq-level lang id to tokens
    output = jnp.zeros((N * P, W.shape[-1]), dtype=flat_sequences.dtype)
    for i in range(W.shape[0]):
        mask = (token_lang == i)
        y = flat_sequences @ W[i].T + b[i]               # per-lang Linear
        output = output + jnp.where(mask[:, None], y, jnp.zeros_like(y))
    return output.reshape(N, P, -1)

if __name__ == "__main__":
    import jax
    _d = setup_inputs()
    print(jax.jit(kernel)(*tuple(_d.values())))

</pallas_src>

<mosaic_0001>
#map = affine_map<(d0, d1) -> (0, 0)>
#map1 = affine_map<(d0, d1) -> (0)>
module attributes {stable_mosaic.version = 14 : i64} {
  func.func @sc_gather(%arg0: i32, %arg1: i32, %arg2: memref<100000x768xf32, #tpu.memory_space<hbm>>, %arg3: memref<4096xi32, #tpu.memory_space<hbm>>, %arg4: memref<4096x768xf32, #tpu.memory_space<hbm>>, %arg5: memref<128xi32, #tpu.memory_space<vmem>>, %arg6: memref<128x768xf32, #tpu.memory_space<vmem>>, %arg7: memref<!tpu.dma_semaphore, #tpu.memory_space<semaphore_mem>>, %arg8: memref<!tpu.dma_semaphore, #tpu.memory_space<semaphore_mem>>) attributes {dimension_semantics = [#tpu.dimension_semantics<core_parallel>, #tpu.dimension_semantics<subcore_parallel>], iteration_bounds = array<i64: 2, 16>, scalar_prefetch = 0 : i64, scratch_operands = 4 : i64, tpu.core_type = #tpu.core_type<sc_vector_subcore>, window_params = [{transform_indices = #map}, {transform_indices = #map1}, {transform_indices = #map}]} {
    %mul3A = arith.constant 2 : i32
    %mul3A_0 = arith.muli %arg1, %mul3A : i32
    %add3A = arith.addi %mul3A_0, %arg0 : i32
    %mul3A_1 = arith.constant 128 : i32
    %mul3A_2 = arith.muli %add3A, %mul3A_1 : i32
    "tpu.region"() ({
      %run_scoped3A = tpu.sem_alloc : memref<!tpu.dma_semaphore, #tpu.memory_space<semaphore_mem>>
      %dma_start3A_153 = tpu.memref_slice %arg3[%mul3A_2] : memref<4096xi32, #tpu.memory_space<hbm>> -> memref<128xi32, #tpu.memory_space<hbm>>
      %dma_start3A_154 = tpu.memref_slice %arg3[%mul3A_2] : memref<4096xi32, #tpu.memory_space<hbm>> -> memref<128xi32, #tpu.memory_space<hbm>>
      tpu.enqueue_dma source(%dma_start3A_154 : memref<128xi32, #tpu.memory_space<hbm>>) target(%arg5 : memref<128xi32, #tpu.memory_space<vmem>>) target_semaphore(%run_scoped3A : memref<!tpu.dma_semaphore, #tpu.memory_space<semaphore_mem>>)
      %dma_wait3A_155 = tpu.memref_slice %arg3[%mul3A_2] : memref<4096xi32, #tpu.memory_space<hbm>> -> memref<128xi32, #tpu.memory_space<hbm>>
      %dma_wait3A_156 = tpu.memref_slice %arg3[%mul3A_2] : memref<4096xi32, #tpu.memory_space<hbm>> -> memref<128xi32, #tpu.memory_space<hbm>>
      tpu.wait_dma2 semaphore(%run_scoped3A : memref<!tpu.dma_semaphore, #tpu.memory_space<semaphore_mem>>) src(%dma_wait3A_156 : memref<128xi32, #tpu.memory_space<hbm>>) dst(%arg5 : memref<128xi32, #tpu.memory_space<vmem>>)
      tpu.yield
    }) : () -> ()
    %dma_start3A = arith.constant 0 : i32
    %dma_start3A_3 = arith.constant 0 : i32
    %dma_start3A_4 = tpu.memref_slice %arg6[%dma_start3A, %dma_start3A_3] : memref<128x768xf32, #tpu.memory_space<vmem>> -> memref<32x768xf32, #tpu.memory_space<vmem>>
    %dma_start3A_5 = arith.constant 0 : i32
    %dma_start3A_6 = tpu.memref_slice %arg5[%dma_start3A_5] : memref<128xi32, #tpu.memory_space<vmem>> -> memref<32xi32, #tpu.memory_space<vmem>>
    %dma_start3A_7 = arith.constant 0 : i32
    %dma_start3A_8 = arith.constant 0 : i32
    %dma_start3A_9 = tpu.memref_slice %arg2[%dma_start3A_7, %dma_start3A_8] : memref<100000x768xf32, #tpu.memory_space<hbm>> -> memref<100000x768xf32, #tpu.memory_space<hbm>>
    tpu.enqueue_indirect_dma source(%dma_start3A_9 : memref<100000x768xf32, #tpu.memory_space<hbm>>) target(%dma_start3A_4 : memref<32x768xf32, #tpu.memory_space<vmem>>) offsets(%dma_start3A_6 : memref<32xi32, #tpu.memory_space<vmem>>) semaphore(%arg7 : memref<!tpu.dma_semaphore, #tpu.memory_space<semaphore_mem>>)
    %dma_start3A_10 = arith.constant 32 : i32
    %dma_start3A_11 = arith.constant 0 : i32
    %dma_start3A_12 = tpu.memref_slice %arg6[%dma_start3A_10, %dma_start3A_11] : memref<128x768xf32, #tpu.memory_space<vmem>> -> memref<32x768xf32, #tpu.memory_space<vmem>>
    %dma_start3A_13 = arith.constant 32 : i32
    %dma_start3A_14 = tpu.memref_slice %arg5[%dma_start3A_13] : memref<128xi32, #tpu.memory_space<vmem>> -> memref<32xi32, #tpu.memory_space<vmem>>
    %dma_start3A_15 = arith.constant 0 : i32
    %dma_start3A_16 = arith.constant 0 : i32
    %dma_start3A_17 = tpu.memref_slice %arg2[%dma_start3A_15, %dma_start3A_16] : memref<100000x768xf32, #tpu.memory_space<hbm>> -> memref<100000x768xf32, #tpu.memory_space<hbm>>
    tpu.enqueue_indirect_dma source(%dma_start3A_17 : memref<100000x768xf32, #tpu.memory_space<hbm>>) target(%dma_start3A_12 : memref<32x768xf32, #tpu.memory_space<vmem>>) offsets(%dma_start3A_14 : memref<32xi32, #tpu.memory_space<vmem>>) semaphore(%arg7 : memref<!tpu.dma_semaphore, #tpu.memory_space<semaphore_mem>>)
    %dma_start3A_18 = arith.constant 64 : i32
    %dma_start3A_19 = arith.constant 0 : i32
    %dma_start3A_20 = tpu.memref_slice %arg6[%dma_start3A_18, %dma_start3A_19] : memref<128x768xf32, #tpu.memory_space<vmem>> -> memref<32x768xf32, #tpu.memory_space<vmem>>
    %dma_start3A_21 = arith.constant 64 : i32
    %dma_start3A_22 = tpu.memref_slice %arg5[%dma_start3A_21] : memref<128xi32, #tpu.memory_space<vmem>> -> memref<32xi32, #tpu.memory_space<vmem>>
    %dma_start3A_23 = arith.constant 0 : i32
    %dma_start3A_24 = arith.constant 0 : i32
    %dma_start3A_25 = tpu.memref_slice %arg2[%dma_start3A_23, %dma_start3A_24] : memref<100000x768xf32, #tpu.memory_space<hbm>> -> memref<100000x768xf32, #tpu.memory_space<hbm>>
    tpu.enqueue_indirect_dma source(%dma_start3A_25 : memref<100000x768xf32, #tpu.memory_space<hbm>>) target(%dma_start3A_20 : memref<32x768xf32, #tpu.memory_space<vmem>>) offsets(%dma_start3A_22 : memref<32xi32, #tpu.memory_space<vmem>>) semaphore(%arg7 : memref<!tpu.dma_semaphore, #tpu.memory_space<semaphore_mem>>)
    %dma_start3A_26 = arith.constant 96 : i32
    %dma_start3A_27 = arith.constant 0 : i32
    %dma_start3A_28 = tpu.memref_slice %arg6[%dma_start3A_26, %dma_start3A_27] : memref<128x768xf32, #tpu.memory_space<vmem>> -> memref<32x768xf32, #tpu.memory_space<vmem>>
    %dma_start3A_29 = arith.constant 96 : i32
    %dma_start3A_30 = tpu.memref_slice %arg5[%dma_start3A_29] : memref<128xi32, #tpu.memory_space<vmem>> -> memref<32xi32, #tpu.memory_space<vmem>>
    %dma_start3A_31 = arith.constant 0 : i32
    %dma_start3A_32 = arith.constant 0 : i32
    %dma_start3A_33 = tpu.memref_slice %arg2[%dma_start3A_31, %dma_start3A_32] : memref<100000x768xf32, #tpu.memory_space<hbm>> -> memref<100000x768xf32, #tpu.memory_space<hbm>>
    tpu.enqueue_indirect_dma source(%dma_start3A_33 : memref<100000x768xf32, #tpu.memory_space<hbm>>) target(%dma_start3A_28 : memref<32x768xf32, #tpu.memory_space<vmem>>) offsets(%dma_start3A_30 : memref<32xi32, #tpu.memory_space<vmem>>) semaphore(%arg7 : memref<!tpu.dma_semaphore, #tpu.memory_space<semaphore_mem>>)
    %dma_wait3A = arith.constant 0 : i32
    %dma_wait3A_34 = arith.constant 0 : i32
    %dma_wait3A_35 = tpu.memref_slice %arg6[%dma_wait3A, %dma_wait3A_34] : memref<128x768xf32, #tpu.memory_space<vmem>> -> memref<32x768xf32, #tpu.memory_space<vmem>>
    %dma_wait3A_36 = arith.constant 0 : i32
    %dma_wait3A_37 = tpu.memref_slice %arg5[%dma_wait3A_36] : memref<128xi32, #tpu.memory_space<vmem>> -> memref<32xi32, #tpu.memory_space<vmem>>
    %dma_wait3A_38 = arith.constant 0 : i32
    %dma_wait3A_39 = arith.constant 0 : i32
    %dma_wait3A_40 = tpu.memref_slice %arg2[%dma_wait3A_38, %dma_wait3A_39] : memref<100000x768xf32, #tpu.memory_space<hbm>> -> memref<100000x768xf32, #tpu.memory_space<hbm>>
    tpu.wait_indirect_dma semaphore(%arg7 : memref<!tpu.dma_semaphore, #tpu.memory_space<semaphore_mem>>) src(%dma_wait3A_40 : memref<100000x768xf32, #tpu.memory_space<hbm>>) dst(%dma_wait3A_35 : memref<32x768xf32, #tpu.memory_space<vmem>>)
    %add3A_41 = arith.constant 0 : i32
    %add3A_42 = arith.addi %mul3A_2, %add3A_41 : i32
    %dma_start3A_43 = arith.constant 0 : i32
    %dma_start3A_44 = arith.constant 0 : i32
    %dma_start3A_45 = tpu.memref_slice %arg6[%dma_start3A_43, %dma_start3A_44] : memref<128x768xf32, #tpu.memory_space<vmem>> -> memref<32x768xf32, #tpu.memory_space<vmem>>
    %dma_start3A_46 = arith.constant 0 : i32
    %dma_start3A_47 = tpu.memref_slice %arg4[%add3A_42, %dma_start3A_46] : memref<4096x768xf32, #tpu.memory_space<hbm>> -> memref<32x768xf32, #tpu.memory_space<hbm>>
    %dma_start3A_48 = arith.constant 0 : i32
    %dma_start3A_49 = tpu.memref_slice %arg4[%add3A_42, %dma_start3A_48] : memref<4096x768xf32, #tpu.memory_space<hbm>> -> memref<32x768xf32, #tpu.memory_space<hbm>>
    %dma_start3A_50 = arith.constant 0 : i32
    %dma_start3A_51 = arith.constant 0 : i32
    %dma_start3A_52 = tpu.memref_slice %arg6[%dma_start3A_50, %dma_start3A_51] : memref<128x768xf32, #tpu.memory_space<vmem>> -> memref<32x768xf32, #tpu.memory_space<vmem>>
    tpu.enqueue_dma source(%dma_start3A_52 : memref<32x768xf32, #tpu.memory_space<vmem>>) target(%dma_start3A_49 : memref<32x768xf32, #tpu.memory_space<hbm>>) target_semaphore(%arg8 : memref<!tpu.dma_semaphore, #tpu.memory_space<semaphore_mem>>)
    %dma_wait3A_53 = arith.constant 32 : i32
    %dma_wait3A_54 = arith.constant 0 : i32
    %dma_wait3A_55 = tpu.memref_slice %arg6[%dma_wait3A_53, %dma_wait3A_54] : memref<128x768xf32, #tpu.memory_space<vmem>> -> memref<32x768xf32, #tpu.memory_space<vmem>>
    %dma_wait3A_56 = arith.constant 32 : i32
    %dma_wait3A_57 = tpu.memref_slice %arg5[%dma_wait3A_56] : memref<128xi32, #tpu.memory_space<vmem>> -> memref<32xi32, #tpu.memory_space<vmem>>
    %dma_wait3A_58 = arith.constant 0 : i32
    %dma_wait3A_59 = arith.constant 0 : i32
    %dma_wait3A_60 = tpu.memref_slice %arg2[%dma_wait3A_58, %dma_wait3A_59] : memref<100000x768xf32, #tpu.memory_space<hbm>> -> memref<100000x768xf32, #tpu.memory_space<hbm>>
    tpu.wait_indirect_dma semaphore(%arg7 : memref<!tpu.dma_semaphore, #tpu.memory_space<semaphore_mem>>) src(%dma_wait3A_60 : memref<100000x768xf32, #tpu.memory_space<hbm>>) dst(%dma_wait3A_55 : memref<32x768xf32, #tpu.memory_space<vmem>>)
    %add3A_61 = arith.constant 32 : i32
    %add3A_62 = arith.addi %mul3A_2, %add3A_61 : i32
    %dma_start3A_63 = arith.constant 32 : i32
    %dma_start3A_64 = arith.constant 0 : i32
    %dma_start3A_65 = tpu.memref_slice %arg6[%dma_start3A_63, %dma_start3A_64] : memref<128x768xf32, #tpu.memory_space<vmem>> -> memref<32x768xf32, #tpu.memory_space<vmem>>
    %dma_start3A_66 = arith.constant 0 : i32
    %dma_start3A_67 = tpu.memref_slice %arg4[%add3A_62, %dma_start3A_66] : memref<4096x768xf32, #tpu.memory_space<hbm>> -> memref<32x768xf32, #tpu.memory_space<hbm>>
    %dma_start3A_68 = arith.constant 0 : i32
    %dma_start3A_69 = tpu.memref_slice %arg4[%add3A_62, %dma_start3A_68] : memref<4096x768xf32, #tpu.memory_space<hbm>> -> memref<32x768xf32, #tpu.memory_space<hbm>>
    %dma_start3A_70 = arith.constant 32 : i32
    %dma_start3A_71 = arith.constant 0 : i32
    %dma_start3A_72 = tpu.memref_slice %arg6[%dma_start3A_70, %dma_start3A_71] : memref<128x768xf32, #tpu.memory_space<vmem>> -> memref<32x768xf32, #tpu.memory_space<vmem>>
    tpu.enqueue_dma source(%dma_start3A_72 : memref<32x768xf32, #tpu.memory_space<vmem>>) target(%dma_start3A_69 : memref<32x768xf32, #tpu.memory_space<hbm>>) target_semaphore(%arg8 : memref<!tpu.dma_semaphore, #tpu.memory_space<semaphore_mem>>)
    %dma_wait3A_73 = arith.constant 64 : i32
    %dma_wait3A_74 = arith.constant 0 : i32
    %dma_wait3A_75 = tpu.memref_slice %arg6[%dma_wait3A_73, %dma_wait3A_74] : memref<128x768xf32, #tpu.memory_space<vmem>> -> memref<32x768xf32, #tpu.memory_space<vmem>>
    %dma_wait3A_76 = arith.constant 64 : i32
    %dma_wait3A_77 = tpu.memref_slice %arg5[%dma_wait3A_76] : memref<128xi32, #tpu.memory_space<vmem>> -> memref<32xi32, #tpu.memory_space<vmem>>
    %dma_wait3A_78 = arith.constant 0 : i32
    %dma_wait3A_79 = arith.constant 0 : i32
    %dma_wait3A_80 = tpu.memref_slice %arg2[%dma_wait3A_78, %dma_wait3A_79] : memref<100000x768xf32, #tpu.memory_space<hbm>> -> memref<100000x768xf32, #tpu.memory_space<hbm>>
    tpu.wait_indirect_dma semaphore(%arg7 : memref<!tpu.dma_semaphore, #tpu.memory_space<semaphore_mem>>) src(%dma_wait3A_80 : memref<100000x768xf32, #tpu.memory_space<hbm>>) dst(%dma_wait3A_75 : memref<32x768xf32, #tpu.memory_space<vmem>>)
    %add3A_81 = arith.constant 64 : i32
    %add3A_82 = arith.addi %mul3A_2, %add3A_81 : i32
    %dma_start3A_83 = arith.constant 64 : i32
    %dma_start3A_84 = arith.constant 0 : i32
    %dma_start3A_85 = tpu.memref_slice %arg6[%dma_start3A_83, %dma_start3A_84] : memref<128x768xf32, #tpu.memory_space<vmem>> -> memref<32x768xf32, #tpu.memory_space<vmem>>
    %dma_start3A_86 = arith.constant 0 : i32
    %dma_start3A_87 = tpu.memref_slice %arg4[%add3A_82, %dma_start3A_86] : memref<4096x768xf32, #tpu.memory_space<hbm>> -> memref<32x768xf32, #tpu.memory_space<hbm>>
    %dma_start3A_88 = arith.constant 0 : i32
    %dma_start3A_89 = tpu.memref_slice %arg4[%add3A_82, %dma_start3A_88] : memref<4096x768xf32, #tpu.memory_space<hbm>> -> memref<32x768xf32, #tpu.memory_space<hbm>>
    %dma_start3A_90 = arith.constant 64 : i32
    %dma_start3A_91 = arith.constant 0 : i32
    %dma_start3A_92 = tpu.memref_slice %arg6[%dma_start3A_90, %dma_start3A_91] : memref<128x768xf32, #tpu.memory_space<vmem>> -> memref<32x768xf32, #tpu.memory_space<vmem>>
    tpu.enqueue_dma source(%dma_start3A_92 : memref<32x768xf32, #tpu.memory_space<vmem>>) target(%dma_start3A_89 : memref<32x768xf32, #tpu.memory_space<hbm>>) target_semaphore(%arg8 : memref<!tpu.dma_semaphore, #tpu.memory_space<semaphore_mem>>)
    %dma_wait3A_93 = arith.constant 96 : i32
    %dma_wait3A_94 = arith.constant 0 : i32
    %dma_wait3A_95 = tpu.memref_slice %arg6[%dma_wait3A_93, %dma_wait3A_94] : memref<128x768xf32, #tpu.memory_space<vmem>> -> memref<32x768xf32, #tpu.memory_space<vmem>>
    %dma_wait3A_96 = arith.constant 96 : i32
    %dma_wait3A_97 = tpu.memref_slice %arg5[%dma_wait3A_96] : memref<128xi32, #tpu.memory_space<vmem>> -> memref<32xi32, #tpu.memory_space<vmem>>
    %dma_wait3A_98 = arith.constant 0 : i32
    %dma_wait3A_99 = arith.constant 0 : i32
    %dma_wait3A_100 = tpu.memref_slice %arg2[%dma_wait3A_98, %dma_wait3A_99] : memref<100000x768xf32, #tpu.memory_space<hbm>> -> memref<100000x768xf32, #tpu.memory_space<hbm>>
    tpu.wait_indirect_dma semaphore(%arg7 : memref<!tpu.dma_semaphore, #tpu.memory_space<semaphore_mem>>) src(%dma_wait3A_100 : memref<100000x768xf32, #tpu.memory_space<hbm>>) dst(%dma_wait3A_95 : memref<32x768xf32, #tpu.memory_space<vmem>>)
    %add3A_101 = arith.constant 96 : i32
    %add3A_102 = arith.addi %mul3A_2, %add3A_101 : i32
    %dma_start3A_103 = arith.constant 96 : i32
    %dma_start3A_104 = arith.constant 0 : i32
    %dma_start3A_105 = tpu.memref_slice %arg6[%dma_start3A_103, %dma_start3A_104] : memref<128x768xf32, #tpu.memory_space<vmem>> -> memref<32x768xf32, #tpu.memory_space<vmem>>
    %dma_start3A_106 = arith.constant 0 : i32
    %dma_start3A_107 = tpu.memref_slice %arg4[%add3A_102, %dma_start3A_106] : memref<4096x768xf32, #tpu.memory_space<hbm>> -> memref<32x768xf32, #tpu.memory_space<hbm>>
    %dma_start3A_108 = arith.constant 0 : i32
    %dma_start3A_109 = tpu.memref_slice %arg4[%add3A_102, %dma_start3A_108] : memref<4096x768xf32, #tpu.memory_space<hbm>> -> memref<32x768xf32, #tpu.memory_space<hbm>>
    %dma_start3A_110 = arith.constant 96 : i32
    %dma_start3A_111 = arith.constant 0 : i32
    %dma_start3A_112 = tpu.memref_slice %arg6[%dma_start3A_110, %dma_start3A_111] : memref<128x768xf32, #tpu.memory_space<vmem>> -> memref<32x768xf32, #tpu.memory_space<vmem>>
    tpu.enqueue_dma source(%dma_start3A_112 : memref<32x768xf32, #tpu.memory_space<vmem>>) target(%dma_start3A_109 : memref<32x768xf32, #tpu.memory_space<hbm>>) target_semaphore(%arg8 : memref<!tpu.dma_semaphore, #tpu.memory_space<semaphore_mem>>)
    %dma_wait3A_113 = arith.constant 0 : i32
    %dma_wait3A_114 = arith.constant 0 : i32
    %dma_wait3A_115 = tpu.memref_slice %arg6[%dma_wait3A_113, %dma_wait3A_114] : memref<128x768xf32, #tpu.memory_space<vmem>> -> memref<32x768xf32, #tpu.memory_space<vmem>>
    %dma_wait3A_116 = arith.constant 0 : i32
    %dma_wait3A_117 = tpu.memref_slice %arg4[%add3A_42, %dma_wait3A_116] : memref<4096x768xf32, #tpu.memory_space<hbm>> -> memref<32x768xf32, #tpu.memory_space<hbm>>
    %dma_wait3A_118 = arith.constant 0 : i32
    %dma_wait3A_119 = tpu.memref_slice %arg4[%add3A_42, %dma_wait3A_118] : memref<4096x768xf32, #tpu.memory_space<hbm>> -> memref<32x768xf32, #tpu.memory_space<hbm>>
    %dma_wait3A_120 = arith.constant 0 : i32
    %dma_wait3A_121 = arith.constant 0 : i32
    %dma_wait3A_122 = tpu.memref_slice %arg6[%dma_wait3A_120, %dma_wait3A_121] : memref<128x768xf32, #tpu.memory_space<vmem>> -> memref<32x768xf32, #tpu.memory_space<vmem>>
    tpu.wait_dma2 semaphore(%arg8 : memref<!tpu.dma_semaphore, #tpu.memory_space<semaphore_mem>>) src(%dma_wait3A_122 : memref<32x768xf32, #tpu.memory_space<vmem>>) dst(%dma_wait3A_119 : memref<32x768xf32, #tpu.memory_space<hbm>>)
    %dma_wait3A_123 = arith.constant 32 : i32
    %dma_wait3A_124 = arith.constant 0 : i32
    %dma_wait3A_125 = tpu.memref_slice %arg6[%dma_wait3A_123, %dma_wait3A_124] : memref<128x768xf32, #tpu.memory_space<vmem>> -> memref<32x768xf32, #tpu.memory_space<vmem>>
    %dma_wait3A_126 = arith.constant 0 : i32
    %dma_wait3A_127 = tpu.memref_slice %arg4[%add3A_62, %dma_wait3A_126] : memref<4096x768xf32, #tpu.memory_space<hbm>> -> memref<32x768xf32, #tpu.memory_space<hbm>>
    %dma_wait3A_128 = arith.constant 0 : i32
    %dma_wait3A_129 = tpu.memref_slice %arg4[%add3A_62, %dma_wait3A_128] : memref<4096x768xf32, #tpu.memory_space<hbm>> -> memref<32x768xf32, #tpu.memory_space<hbm>>
    %dma_wait3A_130 = arith.constant 32 : i32
    %dma_wait3A_131 = arith.constant 0 : i32
    %dma_wait3A_132 = tpu.memref_slice %arg6[%dma_wait3A_130, %dma_wait3A_131] : memref<128x768xf32, #tpu.memory_space<vmem>> -> memref<32x768xf32, #tpu.memory_space<vmem>>
    tpu.wait_dma2 semaphore(%arg8 : memref<!tpu.dma_semaphore, #tpu.memory_space<semaphore_mem>>) src(%dma_wait3A_132 : memref<32x768xf32, #tpu.memory_space<vmem>>) dst(%dma_wait3A_129 : memref<32x768xf32, #tpu.memory_space<hbm>>)
    %dma_wait3A_133 = arith.constant 64 : i32
    %dma_wait3A_134 = arith.constant 0 : i32
    %dma_wait3A_135 = tpu.memref_slice %arg6[%dma_wait3A_133, %dma_wait3A_134] : memref<128x768xf32, #tpu.memory_space<vmem>> -> memref<32x768xf32, #tpu.memory_space<vmem>>
    %dma_wait3A_136 = arith.constant 0 : i32
    %dma_wait3A_137 = tpu.memref_slice %arg4[%add3A_82, %dma_wait3A_136] : memref<4096x768xf32, #tpu.memory_space<hbm>> -> memref<32x768xf32, #tpu.memory_space<hbm>>
    %dma_wait3A_138 = arith.constant 0 : i32
    %dma_wait3A_139 = tpu.memref_slice %arg4[%add3A_82, %dma_wait3A_138] : memref<4096x768xf32, #tpu.memory_space<hbm>> -> memref<32x768xf32, #tpu.memory_space<hbm>>
    %dma_wait3A_140 = arith.constant 64 : i32
    %dma_wait3A_141 = arith.constant 0 : i32
    %dma_wait3A_142 = tpu.memref_slice %arg6[%dma_wait3A_140, %dma_wait3A_141] : memref<128x768xf32, #tpu.memory_space<vmem>> -> memref<32x768xf32, #tpu.memory_space<vmem>>
    tpu.wait_dma2 semaphore(%arg8 : memref<!tpu.dma_semaphore, #tpu.memory_space<semaphore_mem>>) src(%dma_wait3A_142 : memref<32x768xf32, #tpu.memory_space<vmem>>) dst(%dma_wait3A_139 : memref<32x768xf32, #tpu.memory_space<hbm>>)
    %dma_wait3A_143 = arith.constant 96 : i32
    %dma_wait3A_144 = arith.constant 0 : i32
    %dma_wait3A_145 = tpu.memref_slice %arg6[%dma_wait3A_143, %dma_wait3A_144] : memref<128x768xf32, #tpu.memory_space<vmem>> -> memref<32x768xf32, #tpu.memory_space<vmem>>
    %dma_wait3A_146 = arith.constant 0 : i32
    %dma_wait3A_147 = tpu.memref_slice %arg4[%add3A_102, %dma_wait3A_146] : memref<4096x768xf32, #tpu.memory_space<hbm>> -> memref<32x768xf32, #tpu.memory_space<hbm>>
    %dma_wait3A_148 = arith.constant 0 : i32
    %dma_wait3A_149 = tpu.memref_slice %arg4[%add3A_102, %dma_wait3A_148] : memref<4096x768xf32, #tpu.memory_space<hbm>> -> memref<32x768xf32, #tpu.memory_space<hbm>>
    %dma_wait3A_150 = arith.constant 96 : i32
    %dma_wait3A_151 = arith.constant 0 : i32
    %dma_wait3A_152 = tpu.memref_slice %arg6[%dma_wait3A_150, %dma_wait3A_151] : memref<128x768xf32, #tpu.memory_space<vmem>> -> memref<32x768xf32, #tpu.memory_space<vmem>>
    tpu.wait_dma2 semaphore(%arg8 : memref<!tpu.dma_semaphore, #tpu.memory_space<semaphore_mem>>) src(%dma_wait3A_152 : memref<32x768xf32, #tpu.memory_space<vmem>>) dst(%dma_wait3A_149 : memref<32x768xf32, #tpu.memory_space<hbm>>)
    return
  }
}

module attributes {stable_mosaic.version = 14 : i64} {
  func.func @_matmul_body(%arg0: i32, %arg1: i32, %arg2: memref<2xi32, #tpu.memory_space<smem>>, %arg3: memref<2048x768xf32, #tpu.memory_space<vmem>>, %arg4: memref<1x768x768xf32, #tpu.memory_space<vmem>>, %arg5: memref<1x1x768xf32, #tpu.memory_space<vmem>>, %arg6: memref<2048x768xf32, #tpu.memory_space<vmem>>) attributes {dimension_semantics = [#tpu.dimension_semantics<arbitrary>, #tpu.dimension_semantics<arbitrary>], iteration_bounds = array<i64: 2, 1>, scalar_prefetch = 1 : i64, scratch_operands = 0 : i64, tpu.core_type = #tpu.core_type<tc>, window_params = [{transform_indices = @transform_0, window_bounds = array<i64: 2048, 768>}, {transform_indices = @transform_1, window_bounds = array<i64: 1, 768, 768>}, {transform_indices = @transform_2, window_bounds = array<i64: 1, 1, 768>}, {transform_indices = @transform_3, window_bounds = array<i64: 2048, 768>}]} {
    %get3A = arith.constant 0 : index
    %get3A_0 = arith.constant 0 : index
    %get3A_1 = vector.load %arg3[%get3A, %get3A_0] : memref<2048x768xf32, #tpu.memory_space<vmem>>, vector<2048x768xf32>
    %get3A_2 = arith.constant 0 : index
    %get3A_3 = arith.constant 0 : index
    %get3A_4 = arith.constant 0 : index
    %get3A_5 = vector.load %arg4[%get3A_2, %get3A_3, %get3A_4] : memref<1x768x768xf32, #tpu.memory_space<vmem>>, vector<1x768x768xf32>
    %get3A_6 = vector.shape_cast %get3A_5 : vector<1x768x768xf32> to vector<768x768xf32>
    %dot_general3A = arith.constant dense<0.000000e+00> : vector<2048x768xf32>
    %dot_general3A_7 = tpu.matmul %get3A_1, %get3A_6, %dot_general3A {dimension_numbers = #tpu.dot_dimension_numbers<[1], [1], [0], [0], [0, 0, 1, 0], [], []>, transpose_lhs_hint = false} : vector<2048x768xf32>, vector<768x768xf32>, vector<2048x768xf32> -> vector<2048x768xf32>
    %get3A_8 = arith.constant 0 : index
    %get3A_9 = arith.constant 0 : index
    %get3A_10 = arith.constant 0 : index
    %get3A_11 = vector.load %arg5[%get3A_8, %get3A_9, %get3A_10] : memref<1x1x768xf32, #tpu.memory_space<vmem>>, vector<1x1x768xf32>
    %get3A_12 = vector.shape_cast %get3A_11 : vector<1x1x768xf32> to vector<1x768xf32>
    %add3A = vector.broadcast %get3A_12 : vector<1x768xf32> to vector<2048x768xf32>
    %add3A_13 = arith.addf %dot_general3A_7, %add3A : vector<2048x768xf32>
    %swap3A = arith.constant 0 : index
    %swap3A_14 = arith.constant 0 : index
    %swap3A_15 = vector.load %arg6[%swap3A, %swap3A_14] : memref<2048x768xf32, #tpu.memory_space<vmem>>, vector<2048x768xf32>
    tpu.vector_store %arg6[%swap3A, %swap3A_14], %add3A_13 {strides = array<i32>} : memref<2048x768xf32, #tpu.memory_space<vmem>>, vector<2048x768xf32>,
    return
  }
  func.func @transform_0(%arg0: i32, %arg1: i32, %arg2: memref<2xi32, #tpu.memory_space<smem>>) -> (i32, i32) {
    %mul3A = arith.constant 1 : i32
    %mul3A_0 = arith.muli %arg0, %mul3A : i32
    %add3A = arith.addi %mul3A_0, %arg1 : i32
    %c0_i32 = arith.constant 0 : i32
    %c0_i32_1 = arith.constant 0 : i32
    return %add3A, %c0_i32 : i32, i32
  }
  func.func @transform_1(%arg0: i32, %arg1: i32, %arg2: memref<2xi32, #tpu.memory_space<smem>>) -> (i32, i32, i32) {
    %get3A = arith.index_cast %arg0 : i32 to index
    %get3A_0 = memref.load %arg2[%get3A] : memref<2xi32, #tpu.memory_space<smem>>
    %c0_i32 = arith.constant 0 : i32
    %c0_i32_1 = arith.constant 0 : i32
    %c0_i32_2 = arith.constant 0 : i32
    return %get3A_0, %c0_i32, %c0_i32_1 : i32, i32, i32
  }
  func.func @transform_2(%arg0: i32, %arg1: i32, %arg2: memref<2xi32, #tpu.memory_space<smem>>) -> (i32, i32, i32) {
    %get3A = arith.index_cast %arg0 : i32 to index
    %get3A_0 = memref.load %arg2[%get3A] : memref<2xi32, #tpu.memory_space<smem>>
    %c0_i32 = arith.constant 0 : i32
    %c0_i32_1 = arith.constant 0 : i32
    %c0_i32_2 = arith.constant 0 : i32
    return %get3A_0, %c0_i32, %c0_i32_1 : i32, i32, i32
  }
  func.func @transform_3(%arg0: i32, %arg1: i32, %arg2: memref<2xi32, #tpu.memory_space<smem>>) -> (i32, i32) {
    %mul3A = arith.constant 1 : i32
    %mul3A_0 = arith.muli %arg0, %mul3A : i32
    %add3A = arith.addi %mul3A_0, %arg1 : i32
    %c0_i32 = arith.constant 0 : i32
    %c0_i32_1 = arith.constant 0 : i32
    return %add3A, %c0_i32 : i32, i32
  }
}

</mosaic_0001>

<sc_bundles>
// kernel: kernel.4.cloned.1.call-start
scs
__scs_entry_jumppad:
0x0: {  	(pc) =	sbr.rel $0x88, $3  }
0x1: {  	(tag) =	ssettag $0x0;
	lr =	simm.s32 $0x1  }
0x2: {  	[smem:$0x3F9D] =	sst lr;
	_ =	strace $0xD0000000  }
0x3: {  	_ = 	snop  }
0x4: {  	_ = 	snop  }
0x5: {  	_ = 	snop  }
0x6: {  	_ = 	snop  }
0x7: {  	_ = 	snop  }
__scs_overlays_trampoline_lowered:
0x8: {  	[smem:$0x3FAC] =	sst s0  }
0x9: {  	[smem:$0x3FAD] =	sst s1  }
0xa: {  	[smem:$0x3FAE] =	sst s2  }
0xb: {  	[smem:$0x3FAF] =	sst s3  }
0xc: {  	[smem:$0x3FB0] =	sst s4  }
0xd: {  	[smem:$0x3FB1] =	sst s5  }
0xe: {  	[smem:$0x3FB2] =	sst s6  }
0xf: {  	[smem:$0x3FB3] =	sst s7  }
0x10: {  	[smem:$0x3FB4] =	sst s8  }
0x11: {  	[smem:$0x3FB5] =	sst s9;
	s0 =	simm.s32 @!p0 $0x0  }
0x12: {  	s1 =	sld [smem:$0x3F9B];
	s0 =	simm.s32 @p0 $0x1  }
0x13: {  	[smem:$0x3FB6] =	sst s0;
	s0 =	simm.s32 @!p1 $0x0  }
0x14: {  	s2 =	sld [smem:$0x3F9A];
	s0 =	simm.s32 @p1 $0x1  }
0x15: {  	[smem:$0x3FB7] =	sst s0;
	s0 =	simm.s32 @!p2 $0x0  }
0x16: {  	s3 =	sld [smem:$0x3FDB];
	s0 =	simm.s32 @p2 $0x1  }
0x17: {  	s4 =	simm.s32 $0x1BF5;
	[smem:$0x3FB9] =	sst s0  }
0x18: {  	s0 =	sld [smem:$0x3F9C];
	_ =	swait.ge [sflag:s4], $0x0  }
0x19: {  	s7 =	sld [smem:$0x3F9D]  }
0x1a: {  	s8 =	sadd.s32 $0xFFFFE003, lr  }
0x1b: {  	s9 =	sadd.s32 $0xFFFFFEF7, lr;
	s5 =	simm.s32 $0xFFFFFFFF;
	p2 =	slt.u32 s8, $0xFFFFF086  }
0x1c: {  	p1 =	slt.u32 s9, $0xF7A;
	s5 =	simm.s32 @!p2 $0x0  }
0x1d: {  	s5 =	simm.s32 @p1 $0x1;
	p0 =	seq.s32 s7, s2  }
0x1e: {  	s7 =	smul.u32 @!p0 $0xF7A, s2;
	p2 =	seq.s32 @!p0 s5, $0x0  }
0x1f: {  	s9 =	smul.u32 $0xF7A, s1;
	s8 =	simm.s32 @!p0 $0x1BF5;
	p2 =	por !p2, p0  }
0x20: {  	[sflag:s8] =	ssyncset.s32 @!p0 $0xFFFFF086;
	s6 =	sadd.s32 @!p0 s3, s7;
	s7 =	simm.s32 @!p0 $0x108  }
0x21: {  	s3 =	sadd.s32 s3, s9;
	s6 =	sadd.s32 @!p0 $0x88, s6;
	s7 =	simm.s32 @p2 $0x1082  }
0x22: {  	[simem:s7], [sflag:s8] =	dma.local @!p0 [hbm:s6], $0xF7A  }
0x23: {  	s9 =	sor.u32 $0xD0000000, s2;
	s6 =	simm.s32 $0x108;
	_ =	swait.ge @!p0 [sflag:s8], $0x0  }
0x24: {  	s3 =	sadd.s32 $0x88, s3;
	s6 =	simm.s32 @!p1 $0x1082;
	[sflag:s4] =	ssyncset.s32 $0xFFFFF086  }
0x25: {  	[simem:s6], [sflag:s4] =	dma.local [hbm:s3], $0xF7A  }
0x26: {  	[smem:$0x3F9D] =	sst s1;
	(tag) =	ssettag s2;
	_ =	strace s9  }
0x27: {  	s1 =	sld [smem:$0x3FAD]  }
0x28: {  	s2 =	sld [smem:$0x3FAE]  }
0x29: {  	s4 =	sld [smem:$0x3FB0]  }
0x2a: {  	p0 =	seq.s32 s5, $0x0;
	s5 =	sld [smem:$0x3FB1]  }
0x2b: {  	s6 =	sld [smem:$0x3FB2]  }
0x2c: {  	s7 =	sld [smem:$0x3FB3]  }
0x2d: {  	s3 =	simm.s32 $0x108;
	s8 =	sld [smem:$0x3FB4]  }
0x2e: {  	s3 =	simm.s32 @!p0 $0x1082;
	s9 =	sld [smem:$0x3FB5]  }
0x2f: {  	lr =	sadd.s32 s0, s3;
	s0 =	sld [smem:$0x3FAC]  }
0x30: {  	s3 =	sld [smem:$0x3FAF]  }
0x31: {  	[smem:$0x3FB8] =	sst s10  }
0x32: {  	s10 =	sld [smem:$0x3FB6];
	_ =	sdelay $0x3  }
0x33: {  	p0 =	seq.s32 s10, $0x1;
	s10 =	sld [smem:$0x3FB8];
	_ =	sdelay $0x3  }
0x34: {  	[smem:$0x3FB8] =	sst s10  }
0x35: {  	s10 =	sld [smem:$0x3FB7];
	_ =	sdelay $0x3  }
0x36: {  	p1 =	seq.s32 s10, $0x1;
	s10 =	sld [smem:$0x3FB8];
	_ =	sdelay $0x3  }
0x37: {  	[smem:$0x3FB8] =	sst s10  }
0x38: {  	s10 =	sld [smem:$0x3FB9]  }
0x39: {  	_ = 	snop;
	(pc) =	sbr.ind lr, $3  }
0x3a: {  	_ = 	snop  }
0x3b: {  	_ = 	snop  }
0x3c: {  	p2 =	seq.s32 s10, $0x1;
	s10 =	sld [smem:$0x3FB8]  }
0x3d: {  	_ =	shalt  }
0x3e: {  	_ =	shalt  }
0x3f: {  	_ =	shalt  }
0x40: {  	_ =	shalt  }
0x41: {  	_ =	shalt  }
0x42: {  	_ =	shalt  }
0x43: {  	_ =	shalt  }
0x44: {  	_ =	shalt  }
0x45: {  	_ =	shalt  }
0x46: {  	_ =	shalt  }
0x47: {  	_ =	shalt  }
0x48: {  	_ =	shalt  }
0x49: {  	_ =	shalt  }
0x4a: {  	_ =	shalt  }
0x4b: {  	_ =	shalt  }
0x4c: {  	_ =	shalt  }
0x4d: {  	_ =	shalt  }
0x4e: {  	_ =	shalt  }
0x4f: {  	_ =	shalt  }
0x50: {  	_ =	shalt  }
0x51: {  	_ =	shalt  }
0x52: {  	_ =	shalt  }
0x53: {  	_ =	shalt  }
0x54: {  	_ =	shalt  }
0x55: {  	_ =	shalt  }
0x56: {  	_ =	shalt  }
0x57: {  	_ =	shalt  }
0x58: {  	_ =	shalt  }
0x59: {  	_ =	shalt  }
0x5a: {  	_ =	shalt  }
0x5b: {  	_ =	shalt  }
0x5c: {  	_ =	shalt  }
0x5d: {  	_ =	shalt  }
0x5e: {  	_ =	shalt  }
0x5f: {  	_ =	shalt  }
0x60: {  	_ =	shalt  }
0x61: {  	_ =	shalt  }
0x62: {  	_ =	shalt  }
0x63: {  	_ =	shalt  }
0x64: {  	_ =	shalt  }
0x65: {  	_ =	shalt  }
0x66: {  	_ =	shalt  }
0x67: {  	_ =	shalt  }
0x68: {  	_ =	shalt  }
0x69: {  	_ =	shalt  }
0x6a: {  	_ =	shalt  }
0x6b: {  	_ =	shalt  }
0x6c: {  	_ =	shalt  }
0x6d: {  	_ =	shalt  }
0x6e: {  	_ =	shalt  }
0x6f: {  	_ =	shalt  }
0x70: {  	_ =	shalt  }
0x71: {  	_ =	shalt  }
0x72: {  	_ =	shalt  }
0x73: {  	_ =	shalt  }
0x74: {  	_ =	shalt  }
0x75: {  	_ =	shalt  }
0x76: {  	_ =	shalt  }
0x77: {  	_ =	shalt  }
0x78: {  	_ =	shalt  }
0x79: {  	_ =	shalt  }
0x7a: {  	_ =	shalt  }
0x7b: {  	_ =	shalt  }
0x7c: {  	_ =	shalt  }
0x7d: {  	_ =	shalt  }
0x7e: {  	_ =	shalt  }
0x7f: {  	_ =	shalt  }
0x80: {  	_ =	shalt  }
0x81: {  	_ =	shalt  }
0x82: {  	_ =	shalt  }
0x83: {  	_ =	shalt  }
0x84: {  	_ =	shalt  }
0x85: {  	_ =	shalt  }
0x86: {  	_ =	shalt  }
0x87: {  	_ =	shalt  }
.Lfunc_end0:
.L_simem_size_0:
called_computation_lowered:
.L_overlay_start_0:
0x88: {  	s2 =	sld [smem:$0x3FD9]  }
0x89: {  	s3 =	sld [smem:$0x3FFE];
	_ =	sdelay $0x1  }
0x8a: {  	s1 =	srdreg.scid  }
0x8b: {  	s0 =	sand.u32 $0x1, s1  }
0x8c: {  	s17 =	sshll.u32 s0, $0xA;
	s2 =	sadd.s32 s3, s2  }
0x8d: {  	s2 =	sadd.s32 s2, s17  }
0x8e: {  	[smem:$0x3FC4] =	sst s2  }
0x8f: {  	_ = 	snop  }
0x90: {  	s2 =	sld [smem:$0x3FC8]  }
0x91: {  	s18 =	sld [smem:$0x3FD0];
	(tm) =	ssettm $0x1  }
0x92: {  	s4 =	sld [smem:$0x3FFB];
	_ =	sdelay $0x3  }
0x93: {  	_ =	strace s4  }
0x94: {  	s4 =	sld [smem:$0x3FFC];
	_ =	sdelay $0x3  }
0x95: {  	_ =	strace s4  }
0x96: {  	s4 =	sld [smem:$0x3FFD];
	_ =	sdelay $0x3  }
0x97: {  	_ =	strace s4  }
0x98: {  	_ =	strace $0x8FFFFFFF  }
0x99: {  	s19 =	sld [smem:$0x3FDB];
	_ =	sdelay $0x1  }
0x9a: {  	s5 =	simm.s32 $_scs_section_size  }
0x9b: {  	s6 =	simm.s32 $_size__tile_overlayer_lowered;
	s7 =	simm.s32 $_tile_overlayer_lowered  }
0x9c: {  	s22 =	simm.s32 $0x1BFF;
	s21 =	sshll.u32 s7, $0x1;
	s4 =	sadd.s32 s5, s19  }
0x9d: {  	s8 =	simm.s32 $0x0;
	s20 =	sshll.u32 s6, $0x1;
	s6 =	sadd.s32 s21, s4  }
0x9e: {  	[timem:s8], [sflag:s22] =	dma.local [hbm:s6], s20  }
0x9f: {  	_ =	swait.ge [sflag:s22], s20  }
0xa0: {  	s5 =	ssub.s32 $0x0, s20;
	[sflag:s22] =	ssyncset.done $0x0  }
0xa1: {  	[sflag:s22] =	ssyncadd.s32 s5;
	_ =	sdelay $0x1  }
0xa2: {  	s23 =	simm.s32 $0x1B8B  }
0xa3: {  	_ =	swait.ge [sflag:s23], $0x1  }
0xa4: {  	[sflag:s23] =	ssyncset.done $0x0  }
0xa5: {  	s25 =	simm.s32 $0x1B8E;
	s24 =	sld [smem:$0x3FFE];
	[sflag:s23] =	ssyncadd.s32 $0xFFFFFFFF  }
0xa6: {  	s26 =	simm.s32 $execute0_lowered;
	[smem:$0x3FD2] =	sst s25  }
0xa7: {  	s6 =	sshll.u32 s26, $0x1;
	_ =	strace $0x80000046;
	[dreg:$0x1] =	wrdreg $0xFFFFFFFF  }
0xa8: {  	s28 =	simm.s32 $_size_execute0_lowered;
	s4 =	sadd.s32 s4, s6;
	[dreg:$0x0] =	wrdreg $0x0  }
0xa9: {  	s6 =	sshll.u32 s28, $0x1;
	[dreg:$0x2] =	wrdreg s4  }
0xaa: {  	[dreg:$0x3] =	wrdreg s6  }
0xab: {  	[dreg:$0x4] =	wrdreg $0xC0  }
0xac: {  	_ =	task [dreg:s8], $0x5FFFF  }
0xad: {  	[dreg:$0x1] =	wrdreg $0xFFFFFFFF  }
0xae: {  	[dreg:$0x0] =	wrdreg $0x60  }
0xaf: {  	[dreg:$0x2] =	wrdreg s2  }
0xb0: {  	[dreg:$0x3] =	wrdreg s24  }
0xb1: {  	[dreg:$0x4] =	wrdreg s18  }
0xb2: {  	[dreg:$0x5] =	wrdreg $0x9  }
0xb3: {  	_ =	task.clear_ibuf [dreg:s8], $0x6FFFF;
	_ =	strace $0x90000046  }
0xb4: {  	s29 =	simm.s32 $0x9;
	_ =	strace $0x80000048  }
0xb5: {  	_ =	swait.ge [sflag:s29], $0x1  }
0xb6: {  	[sflag:s29] =	ssyncadd.s32 $0xFFFFFFFF  }
0xb7: {  	_ =	strace $0x90000048  }
0xb8: {  	_ =	sfence  }
0xb9: {  	s30 =	sld [smem:$0x0];
	_ =	sdelay $0x2  }
0xba: {  	s31 =	sshll.u32 s1, $0xD;
	s1 =	sshrl.u32 s1, $0x2  }
0xbb: {  	s3 =	sand.u32 $0x4000, s31;
	s1 =	sadd.s32 s1, s30  }
0xbc: {  	s0 =	sor.u32 s3, s0;
	s1 =	sshll.u32 s1, $0x11  }
0xbd: {  	s0 =	sor.u32 s1, s0  }
0xbe: {  	s0 =	sadd.s32 $0x8F2B, s0  }
0xbf: {  	[sflag:s0] =	ssyncadd.remote.s32 $0x1  }
0xc0: {  	_ =	sfence.sel $0xFFFF  }
0xc1: {  	[dreg:$0x0] =	wrdreg $0xFFFFFFFF;
	(pc) =	sbr.abs _section_cstart, $3  }
0xc2: {  	[dreg:$0x1] =	wrdreg $0xFFFFFFFF  }
0xc3: {  	_ =	task.clear_ibuf [dreg:s8], $0x2FFFF;
	_ =	strace $0x9FFFFFFF  }
0xc4: {  	(tm) =	ssettm $0x7FFFFFFF  }
0xc5: {  	_ =	shalt  }
tec
execute0_lowered:
.L_overlay_start_1:
0x0: {  	(tag) =	ssettag $0x1  }
0x1: {  	s2 =	srdreg.scid  }
0x2: {  	s1 =	rddreg [dreg:$0x0];
	s0 =	stileid.u32;
	s2 =	sand.u32 $0x1, s2  }
0x3: {  	s4 =	rddreg [dreg:$0x1];
	s3 =	sshll.u32 s0, $0x5;
	s5 =	sshll.u32 s2, $0x4  }
0x4: {  	s6 =	rddreg [dreg:$0x2];
	s5 =	sor.u32 s5, s3;
	s3 =	simm.s32 $0x0  }
0x5: {  	s21 =	simm.s32 $0x880;
	[smem:$0x7FF] =	sst s3  }
0x6: {  	s22 =	simm.s32 $0x1080;
	_ =	strace $0x80000047;
	[dreg:$0x8] =	wrdreg s21  }
0x7: {  	s23 =	simm.s32 $0x1880;
	[dreg:$0x9] =	wrdreg s22  }
0x8: {  	s24 =	simm.s32 $0x2080;
	[dreg:$0xa] =	wrdreg s23  }
0x9: {  	s25 =	simm.s32 $0x2880;
	[dreg:$0xb] =	wrdreg s24  }
0xa: {  	s26 =	simm.s32 $0x3080;
	[dreg:$0xc] =	wrdreg s25  }
0xb: {  	s0 =	simm.s32 $0x3880;
	[dreg:$0xd] =	wrdreg s26  }
0xc: {  	s9 =	simm.s32 $0x5880;
	s10 =	simm.s32 $0x6880;
	[dreg:$0xe] =	wrdreg s0  }
0xd: {  	s11 =	simm.s32 $0x7080;
	s12 =	simm.s32 $0x7880;
	[dreg:$0x12] =	wrdreg s9  }
0xe: {  	s13 =	simm.s32 $0x8080;
	s14 =	simm.s32 $0x8880;
	[dreg:$0x13] =	wrdreg s10  }
0xf: {  	s15 =	simm.s32 $0x9080;
	s16 =	simm.s32 $0x9880;
	[dreg:$0x14] =	wrdreg s11  }
0x10: {  	s28 =	simm.s32 $0x16880;
	s29 =	simm.s32 $0x17080;
	[dreg:$0x15] =	wrdreg s12  }
0x11: {  	s30 =	simm.s32 $0x17880;
	s31 =	simm.s32 $0x1;
	[dreg:$0x16] =	wrdreg s13  }
0x12: {  	s2 =	ssub.s32 $0x2, s2;
	s7 =	smul.u32 $0x300, s5;
	[dreg:$0x17] =	wrdreg s14  }
0x13: {  	s8 =	smul.u32 $0x1800, s5;
	s4 =	sadd.s32 s5, s4;
	[dreg:$0x18] =	wrdreg s15  }
0x14: {  	s5 =	sadd.s32 $0x400, s4;
	[dreg:$0x19] =	wrdreg s16;
	s21 =	simm.s32 $0xB880  }
0x15: {  	s22 =	simm.s32 $0xC880;
	s23 =	simm.s32 $0xD080;
	s9 =	simm.s32 $0x80  }
0x16: {  	s24 =	simm.s32 $0xD880;
	s10 =	simm.s32 $0x6080;
	[dreg:$0x4] =	wrdreg s5  }
0x17: {  	s25 =	simm.s32 $0xE080;
	s11 =	simm.s32 $0xC080;
	[dreg:$0x1d] =	wrdreg s21  }
0x18: {  	s26 =	simm.s32 $0xE880;
	s13 =	simm.s32 $0xF880;
	[dreg:$0x1e] =	wrdreg s22  }
0x19: {  	s14 =	simm.s32 $0x10080;
	s15 =	simm.s32 $0x10880;
	[dreg:$0x1f] =	wrdreg s23  }
0x1a: {  	s16 =	simm.s32 $0x11080;
	s4 =	sadd.s32 s6, s7;
	[smem:$0x7FB] =	sst s24  }
0x1b: {  	s17 =	sshrl.u32 s8, $0x3;
	s7 =	simm.s32 $0x4880;
	[smem:$0x7FC] =	sst s25  }
0x1c: {  	s8 =	simm.s32 $0x5080;
	s5 =	sadd.s32 $0x100, s1;
	[smem:$0x7FD] =	sst s26  }
0x1d: {  	s21 =	simm.s32 $0x13880;
	s22 =	simm.s32 $0x14080;
	s23 =	simm.s32 $0x14880  }
0x1e: {  	s24 =	simm.s32 $0x15080;
	s25 =	simm.s32 $0x15880;
	[dreg:$0x10] =	wrdreg s7  }
0x1f: {  	s18 =	sadd.s32 $0xC00, s4;
	s6 =	sadd.s32 s6, s17;
	[dreg:$0x11] =	wrdreg s8  }
0x20: {  	s26 =	simm.s32 $0x16080;
	[dreg:$0x5] =	wrdreg s18;
	s19 =	sadd.s32 $0x1800, s6  }
0x21: {  	s17 =	sshrl.u32 s2, $0x1;
	s20 =	sadd.s32 $0x2400, s6;
	[dreg:$0x6] =	wrdreg s19  }
0x22: {  	s8 =	simm.s32 $0x3;
	s6 =	simm.s32 $0x4080;
	[dreg:$0x7] =	wrdreg s20  }
0x23: {  	s18 =	simm.s32 $0xA080;
	s2 =	ssub.s32 s2, s17;
	[dreg:$0xf] =	wrdreg s6  }
0x24: {  	s17 =	simm.s32 $0x11880;
	[dreg:$0x1a] =	wrdreg s18;
	s19 =	simm.s32 $0xA880  }
0x25: {  	v2 =	vlaneseq.u32;
	s20 =	simm.s32 $0xB080;
	s6 =	sadd.s32 $0x200, s1;
	s7 =	smax.u32 s2, $0x1  }
0x26: {  	vm0 =	vmmov $0xffff;
	v1 =	vshrl.u32 v2, $0x3;
	s18 =	simm.s32 $0x12080;
	s2 =	simm.s32 $0x2;
	[dreg:$0x1b] =	wrdreg s19  }
0x27: {  	v0 =	vand.u32 $0x7, v2;
	v2 =	vor.u32 $0x8, v2;
	v1 =	vmul.u32 $0x8, v1;
	[dreg:$0x1c] =	wrdreg s20;
	s19 =	simm.s32 $0x12880;
	s20 =	simm.s32 $0x13080  }
.LBB2_1:
0x28: {  	s0 =	rddreg [dreg:$0x4]  }
0x29: {  	[tilespmem:s3], [sflag:$0x3] =	stream.linear.gather [hbm4b:s0+s3], $0x80, $0x38;
	[tilespmem:$0x18080] =	vst v63  }
0x2a: {  	_ =	swait.ge [sflag:s8], $0x80  }
0x2b: {  	[sflag:s8] =	ssyncset.done $0x0  }
0x2c: {  	[sflag:s8] =	ssyncadd.s32 $0xFFFFFF80  }
0x2d: {  	v3 =	vld [tilespmem:$0x0];
	_ =	sdelay $0x4  }
0x2e: {  	v4 =	vshrl.u32 v3, $0x3  }
0x2f: {  	v4 =	vmul.u32 $0x30, v4  }
0x30: {  	v3 =	vand.u32 $0x7, v3  }
0x31: {  	v3 =	vor.u32 v3, v4  }
0x32: {  	v4 =	vperm.xlane v3, v0;
	_ =	sdelay $0x1  }
0x33: {  	v4 =	vadd.s32 v1, v4;
	_ =	sdelay $0x3  }
0x34: {  	v3 =	vperm.xlane v3, v2  }
0x35: {  	[tilespmem:s9], [sflag:$0x1] =	stream.indirect_vreg.gather [hbm4b:s1+s3], $0x80, v4, vm0, $0xb8;
	[tilespmem:$0x18080] =	vst v63  }
0x36: {  	s0 =	rddreg [dreg:$0x8];
	v3 =	vadd.s32 v1, v3  }
0x37: {  	[tilespmem:s0], [sflag:$0x1] =	stream.indirect_vreg.gather [hbm4b:s5+s3], $0x80, v4, vm0, $0xb8;
	[tilespmem:$0x18080] =	vst v63  }
0x38: {  	s12 =	rddreg [dreg:$0x9]  }
0x39: {  	[tilespmem:s12], [sflag:$0x1] =	stream.indirect_vreg.gather [hbm4b:s6+s3], $0x80, v4, vm0, $0xb8;
	[tilespmem:$0x18080] =	vst v63  }
0x3a: {  	s0 =	rddreg [dreg:$0xa]  }
0x3b: {  	[tilespmem:s0], [sflag:$0x1] =	stream.indirect_vreg.gather [hbm4b:s1+s3], $0x80, v3, vm0, $0xb8;
	[tilespmem:$0x18080] =	vst v63  }
0x3c: {  	s12 =	rddreg [dreg:$0xb]  }
0x3d: {  	[tilespmem:s12], [sflag:$0x1] =	stream.indirect_vreg.gather [hbm4b:s5+s3], $0x80, v3, vm0, $0xb8;
	[tilespmem:$0x18080] =	vst v63  }
0x3e: {  	s0 =	rddreg [dreg:$0xc]  }
0x3f: {  	[tilespmem:s0], [sflag:$0x1] =	stream.indirect_vreg.gather [hbm4b:s6+s3], $0x80, v3, vm0, $0xb8;
	[tilespmem:$0x18080] =	vst v63  }
0x40: {  	v3 =	vld [tilespmem:$0x10];
	_ =	sdelay $0x4  }
0x41: {  	v57 =	vshrl.u32 v3, $0x3  }
0x42: {  	v4 =	vmul.u32 $0x30, v57  }
0x43: {  	v3 =	vand.u32 $0x7, v3  }
0x44: {  	v3 =	vor.u32 v3, v4  }
0x45: {  	v4 =	vperm.xlane v3, v0;
	_ =	sdelay $0x1  }
0x46: {  	v4 =	vadd.s32 v1, v4;
	_ =	sdelay $0x3  }
0x47: {  	s0 =	rddreg [dreg:$0xd];
	v3 =	vperm.xlane v3, v2  }
0x48: {  	[tilespmem:s0], [sflag:$0x1] =	stream.indirect_vreg.gather [hbm4b:s1+s3], $0x80, v4, vm0, $0xb8;
	[tilespmem:$0x18080] =	vst v63  }
0x49: {  	s12 =	rddreg [dreg:$0xe];
	v3 =	vadd.s32 v1, v3  }
0x4a: {  	[tilespmem:s12], [sflag:$0x1] =	stream.indirect_vreg.gather [hbm4b:s5+s3], $0x80, v4, vm0, $0xb8;
	[tilespmem:$0x18080] =	vst v63  }
0x4b: {  	s0 =	rddreg [dreg:$0xf]  }
0x4c: {  	[tilespmem:s0], [sflag:$0x1] =	stream.indirect_vreg.gather [hbm4b:s6+s3], $0x80, v4, vm0, $0xb8;
	[tilespmem:$0x18080] =	vst v63  }
0x4d: {  	s12 =	rddreg [dreg:$0x10]  }
0x4e: {  	[tilespmem:s12], [sflag:$0x1] =	stream.indirect_vreg.gather [hbm4b:s1+s3], $0x80, v3, vm0, $0xb8;
	[tilespmem:$0x18080] =	vst v63  }
0x4f: {  	s0 =	rddreg [dreg:$0x11]  }
0x50: {  	[tilespmem:s0], [sflag:$0x1] =	stream.indirect_vreg.gather [hbm4b:s5+s3], $0x80, v3, vm0, $0xb8;
	[tilespmem:$0x18080] =	vst v63  }
0x51: {  	s12 =	rddreg [dreg:$0x12]  }
0x52: {  	[tilespmem:s12], [sflag:$0x1] =	stream.indirect_vreg.gather [hbm4b:s6+s3], $0x80, v3, vm0, $0xb8;
	[tilespmem:$0x18080] =	vst v63  }
0x53: {  	v3 =	vld [tilespmem:$0x20];
	_ =	sdelay $0x4  }
0x54: {  	v58 =	vshrl.u32 v3, $0x3  }
0x55: {  	v4 =	vmul.u32 $0x30, v58  }
0x56: {  	v3 =	vand.u32 $0x7, v3  }
0x57: {  	v3 =	vor.u32 v3, v4  }
0x58: {  	v4 =	vperm.xlane v3, v0;
	_ =	sdelay $0x1  }
0x59: {  	v4 =	vadd.s32 v1, v4;
	_ =	sdelay $0x3  }
0x5a: {  	v3 =	vperm.xlane v3, v2  }
0x5b: {  	[tilespmem:s10], [sflag:$0x1] =	stream.indirect_vreg.gather [hbm4b:s1+s3], $0x80, v4, vm0, $0xb8;
	[tilespmem:$0x18080] =	vst v63  }
0x5c: {  	s0 =	rddreg [dreg:$0x13];
	v3 =	vadd.s32 v1, v3  }
0x5d: {  	[tilespmem:s0], [sflag:$0x1] =	stream.indirect_vreg.gather [hbm4b:s5+s3], $0x80, v4, vm0, $0xb8;
	[tilespmem:$0x18080] =	vst v63  }
0x5e: {  	s12 =	rddreg [dreg:$0x14]  }
0x5f: {  	[tilespmem:s12], [sflag:$0x1] =	stream.indirect_vreg.gather [hbm4b:s6+s3], $0x80, v4, vm0, $0xb8;
	[tilespmem:$0x18080] =	vst v63  }
0x60: {  	s0 =	rddreg [dreg:$0x15]  }
0x61: {  	[tilespmem:s0], [sflag:$0x1] =	stream.indirect_vreg.gather [hbm4b:s1+s3], $0x80, v3, vm0, $0xb8;
	[tilespmem:$0x18080] =	vst v63  }
0x62: {  	s12 =	rddreg [dreg:$0x16]  }
0x63: {  	[tilespmem:s12], [sflag:$0x1] =	stream.indirect_vreg.gather [hbm4b:s5+s3], $0x80, v3, vm0, $0xb8;
	[tilespmem:$0x18080] =	vst v63  }
0x64: {  	s0 =	rddreg [dreg:$0x17]  }
0x65: {  	[tilespmem:s0], [sflag:$0x1] =	stream.indirect_vreg.gather [hbm4b:s6+s3], $0x80, v3, vm0, $0xb8;
	[tilespmem:$0x18080] =	vst v63  }
0x66: {  	v3 =	vld [tilespmem:$0x30];
	_ =	sdelay $0x4  }
0x67: {  	v59 =	vshrl.u32 v3, $0x3  }
0x68: {  	v4 =	vmul.u32 $0x30, v59  }
0x69: {  	v3 =	vand.u32 $0x7, v3  }
0x6a: {  	v3 =	vor.u32 v3, v4  }
0x6b: {  	v4 =	vperm.xlane v3, v0;
	_ =	sdelay $0x1  }
0x6c: {  	v4 =	vadd.s32 v1, v4;
	_ =	sdelay $0x3  }
0x6d: {  	s0 =	rddreg [dreg:$0x18];
	v3 =	vperm.xlane v3, v2  }
0x6e: {  	[tilespmem:s0], [sflag:$0x1] =	stream.indirect_vreg.gather [hbm4b:s1+s3], $0x80, v4, vm0, $0xb8;
	[tilespmem:$0x18080] =	vst v63  }
0x6f: {  	s12 =	rddreg [dreg:$0x19];
	v3 =	vadd.s32 v1, v3  }
0x70: {  	[tilespmem:s12], [sflag:$0x1] =	stream.indirect_vreg.gather [hbm4b:s5+s3], $0x80, v4, vm0, $0xb8;
	[tilespmem:$0x18080] =	vst v63  }
0x71: {  	s0 =	rddreg [dreg:$0x1a]  }
0x72: {  	[tilespmem:s0], [sflag:$0x1] =	stream.indirect_vreg.gather [hbm4b:s6+s3], $0x80, v4, vm0, $0xb8;
	[tilespmem:$0x18080] =	vst v63  }
0x73: {  	s12 =	rddreg [dreg:$0x1b]  }
0x74: {  	[tilespmem:s12], [sflag:$0x1] =	stream.indirect_vreg.gather [hbm4b:s1+s3], $0x80, v3, vm0, $0xb8;
	[tilespmem:$0x18080] =	vst v63  }
0x75: {  	s0 =	rddreg [dreg:$0x1c]  }
0x76: {  	[tilespmem:s0], [sflag:$0x1] =	stream.indirect_vreg.gather [hbm4b:s5+s3], $0x80, v3, vm0, $0xb8;
	[tilespmem:$0x18080] =	vst v63  }
0x77: {  	s12 =	rddreg [dreg:$0x1d]  }
0x78: {  	[tilespmem:s12], [sflag:$0x1] =	stream.indirect_vreg.gather [hbm4b:s6+s3], $0x80, v3, vm0, $0xb8;
	[tilespmem:$0x18080] =	vst v63  }
0x79: {  	v3 =	vld [tilespmem:$0x40];
	_ =	sdelay $0x4  }
0x7a: {  	v60 =	vshrl.u32 v3, $0x3  }
0x7b: {  	v4 =	vmul.u32 $0x30, v60  }
0x7c: {  	v3 =	vand.u32 $0x7, v3  }
0x7d: {  	v3 =	vor.u32 v3, v4  }
0x7e: {  	v4 =	vperm.xlane v3, v0;
	_ =	sdelay $0x1  }
0x7f: {  	v4 =	vadd.s32 v1, v4;
	_ =	sdelay $0x3  }
0x80: {  	s0 =	rddreg [dreg:$0x1e];
	v3 =	vperm.xlane v3, v2  }
0x81: {  	[tilespmem:s11], [sflag:$0x1] =	stream.indirect_vreg.gather [hbm4b:s1+s3], $0x80, v4, vm0, $0xb8;
	[tilespmem:$0x18080] =	vst v63  }
0x82: {  	s12 =	rddreg [dreg:$0x1f];
	v3 =	vadd.s32 v1, v3  }
0x83: {  	[tilespmem:s0], [sflag:$0x1] =	stream.indirect_vreg.gather [hbm4b:s5+s3], $0x80, v4, vm0, $0xb8;
	[tilespmem:$0x18080] =	vst v63  }
0x84: {  	s0 =	sld [smem:$0x7FB]  }
0x85: {  	[tilespmem:s12], [sflag:$0x1] =	stream.indirect_vreg.gather [hbm4b:s6+s3], $0x80, v4, vm0, $0xb8;
	[tilespmem:$0x18080] =	vst v63  }
0x86: {  	s12 =	sld [smem:$0x7FC]  }
0x87: {  	[tilespmem:s0], [sflag:$0x1] =	stream.indirect_vreg.gather [hbm4b:s1+s3], $0x80, v3, vm0, $0xb8;
	[tilespmem:$0x18080] =	vst v63  }
0x88: {  	s0 =	sld [smem:$0x7FD]  }
0x89: {  	[tilespmem:s12], [sflag:$0x1] =	stream.indirect_vreg.gather [hbm4b:s5+s3], $0x80, v3, vm0, $0xb8;
	[tilespmem:$0x18080] =	vst v63  }
0x8a: {  	_ = 	snop  }
0x8b: {  	[tilespmem:s0], [sflag:$0x1] =	stream.indirect_vreg.gather [hbm4b:s6+s3], $0x80, v3, vm0, $0xb8;
	[tilespmem:$0x18080] =	vst v63  }
0x8c: {  	v3 =	vld [tilespmem:$0x50];
	_ =	sdelay $0x4  }
0x8d: {  	v61 =	vshrl.u32 v3, $0x3  }
0x8e: {  	v4 =	vmul.u32 $0x30, v61  }
0x8f: {  	v3 =	vand.u32 $0x7, v3  }
0x90: {  	v3 =	vor.u32 v3, v4  }
0x91: {  	v4 =	vperm.xlane v3, v0;
	_ =	sdelay $0x1  }
0x92: {  	v4 =	vadd.s32 v1, v4;
	_ =	sdelay $0x3  }
0x93: {  	s12 =	simm.s32 $0xF080;
	v3 =	vperm.xlane v3, v2  }
0x94: {  	[tilespmem:s12], [sflag:$0x1] =	stream.indirect_vreg.gather [hbm4b:s1+s3], $0x80, v4, vm0, $0xb8;
	[tilespmem:$0x18080] =	vst v63  }
0x95: {  	v3 =	vadd.s32 v1, v3  }
0x96: {  	[tilespmem:s13], [sflag:$0x1] =	stream.indirect_vreg.gather [hbm4b:s5+s3], $0x80, v4, vm0, $0xb8;
	[tilespmem:$0x18080] =	vst v63  }
0x97: {  	_ = 	snop  }
0x98: {  	[tilespmem:s14], [sflag:$0x1] =	stream.indirect_vreg.gather [hbm4b:s6+s3], $0x80, v4, vm0, $0xb8;
	[tilespmem:$0x18080] =	vst v63  }
0x99: {  	_ = 	snop  }
0x9a: {  	[tilespmem:s15], [sflag:$0x1] =	stream.indirect_vreg.gather [hbm4b:s1+s3], $0x80, v3, vm0, $0xb8;
	[tilespmem:$0x18080] =	vst v63  }
0x9b: {  	_ = 	snop  }
0x9c: {  	[tilespmem:s16], [sflag:$0x1] =	stream.indirect_vreg.gather [hbm4b:s5+s3], $0x80, v3, vm0, $0xb8;
	[tilespmem:$0x18080] =	vst v63  }
0x9d: {  	_ = 	snop  }
0x9e: {  	[tilespmem:s17], [sflag:$0x1] =	stream.indirect_vreg.gather [hbm4b:s6+s3], $0x80, v3, vm0, $0xb8;
	[tilespmem:$0x18080] =	vst v63  }
0x9f: {  	v3 =	vld [tilespmem:$0x60];
	_ =	sdelay $0x4  }
0xa0: {  	v62 =	vshrl.u32 v3, $0x3  }
0xa1: {  	v4 =	vmul.u32 $0x30, v62  }
0xa2: {  	v3 =	vand.u32 $0x7, v3  }
0xa3: {  	v3 =	vor.u32 v3, v4  }
0xa4: {  	v4 =	vperm.xlane v3, v0;
	_ =	sdelay $0x1  }
0xa5: {  	v4 =	vadd.s32 v1, v4;
	_ =	sdelay $0x3  }
0xa6: {  	v3 =	vperm.xlane v3, v2  }
0xa7: {  	[tilespmem:s18], [sflag:$0x1] =	stream.indirect_vreg.gather [hbm4b:s1+s3], $0x80, v4, vm0, $0xb8;
	[tilespmem:$0x18080] =	vst v63  }
0xa8: {  	v3 =	vadd.s32 v1, v3  }
0xa9: {  	[tilespmem:s19], [sflag:$0x1] =	stream.indirect_vreg.gather [hbm4b:s5+s3], $0x80, v4, vm0, $0xb8;
	[tilespmem:$0x18080] =	vst v63  }
0xaa: {  	_ = 	snop  }
0xab: {  	[tilespmem:s20], [sflag:$0x1] =	stream.indirect_vreg.gather [hbm4b:s6+s3], $0x80, v4, vm0, $0xb8;
	[tilespmem:$0x18080] =	vst v63  }
0xac: {  	_ = 	snop  }
0xad: {  	[tilespmem:s21], [sflag:$0x1] =	stream.indirect_vreg.gather [hbm4b:s1+s3], $0x80, v3, vm0, $0xb8;
	[tilespmem:$0x18080] =	vst v63  }
0xae: {  	_ = 	snop  }
0xaf: {  	[tilespmem:s22], [sflag:$0x1] =	stream.indirect_vreg.gather [hbm4b:s5+s3], $0x80, v3, vm0, $0xb8;
	[tilespmem:$0x18080] =	vst v63  }
0xb0: {  	_ = 	snop  }
0xb1: {  	[tilespmem:s23], [sflag:$0x1] =	stream.indirect_vreg.gather [hbm4b:s6+s3], $0x80, v3, vm0, $0xb8;
	[tilespmem:$0x18080] =	vst v63  }
0xb2: {  	v3 =	vld [tilespmem:$0x70];
	_ =	sdelay $0x4  }
0xb3: {  	v63 =	vshrl.u32 v3, $0x3  }
0xb4: {  	v4 =	vmul.u32 $0x30, v63  }
0xb5: {  	v3 =	vand.u32 $0x7, v3  }
0xb6: {  	v3 =	vor.u32 v3, v4  }
0xb7: {  	v4 =	vperm.xlane v3, v0;
	_ =	sdelay $0x1  }
0xb8: {  	v4 =	vadd.s32 v1, v4;
	_ =	sdelay $0x3  }
0xb9: {  	v3 =	vperm.xlane v3, v2  }
0xba: {  	[tilespmem:s24], [sflag:$0x1] =	stream.indirect_vreg.gather [hbm4b:s1+s3], $0x80, v4, vm0, $0xb8;
	[tilespmem:$0x18080] =	vst v63  }
0xbb: {  	v3 =	vadd.s32 v1, v3  }
0xbc: {  	[tilespmem:s25], [sflag:$0x1] =	stream.indirect_vreg.gather [hbm4b:s5+s3], $0x80, v4, vm0, $0xb8;
	[tilespmem:$0x18080] =	vst v63  }
0xbd: {  	_ = 	snop  }
0xbe: {  	[tilespmem:s26], [sflag:$0x1] =	stream.indirect_vreg.gather [hbm4b:s6+s3], $0x80, v4, vm0, $0xb8;
	[tilespmem:$0x18080] =	vst v63  }
0xbf: {  	_ = 	snop  }
0xc0: {  	[tilespmem:s28], [sflag:$0x1] =	stream.indirect_vreg.gather [hbm4b:s1+s3], $0x80, v3, vm0, $0xb8;
	[tilespmem:$0x18080] =	vst v63  }
0xc1: {  	_ = 	snop  }
0xc2: {  	[tilespmem:s29], [sflag:$0x1] =	stream.indirect_vreg.gather [hbm4b:s5+s3], $0x80, v3, vm0, $0xb8;
	[tilespmem:$0x18080] =	vst v63  }
0xc3: {  	_ = 	snop  }
0xc4: {  	[tilespmem:s30], [sflag:$0x1] =	stream.indirect_vreg.gather [hbm4b:s6+s3], $0x80, v3, vm0, $0xb8;
	[tilespmem:$0x18080] =	vst v63  }
0xc5: {  	_ =	swait.ge [sflag:s31], $0x6000  }
0xc6: {  	[sflag:s31] =	ssyncset.done $0x0  }
0xc7: {  	[sflag:s31] =	ssyncadd.s32 $0xFFFFA000  }
0xc8: {  	[hbm4b:s4+s3] =	stream.linear.scatter [tilespmem:s9], [sflag:$0x2], $0x6000, $0x38;
	[tilespmem:$0x18080] =	vst v63  }
0xc9: {  	_ =	swait.ge [sflag:s31], $0x6000  }
0xca: {  	[sflag:s31] =	ssyncset.done $0x0  }
0xcb: {  	s12 =	rddreg [dreg:$0x5];
	[sflag:s31] =	ssyncadd.s32 $0xFFFFA000  }
0xcc: {  	[hbm4b:s12+s3] =	stream.linear.scatter [tilespmem:s10], [sflag:$0x2], $0x6000, $0x38;
	[tilespmem:$0x18080] =	vst v63  }
0xcd: {  	_ =	swait.ge [sflag:s31], $0x6000  }
0xce: {  	[sflag:s31] =	ssyncset.done $0x0  }
0xcf: {  	s12 =	rddreg [dreg:$0x6];
	[sflag:s31] =	ssyncadd.s32 $0xFFFFA000  }
0xd0: {  	[hbm4b:s12+s3] =	stream.linear.scatter [tilespmem:s11], [sflag:$0x2], $0x6000, $0x38;
	[tilespmem:$0x18080] =	vst v63  }
0xd1: {  	_ =	swait.ge [sflag:s31], $0x6000  }
0xd2: {  	[sflag:s31] =	ssyncset.done $0x0  }
0xd3: {  	s12 =	rddreg [dreg:$0x7];
	[sflag:s31] =	ssyncadd.s32 $0xFFFFA000  }
0xd4: {  	[hbm4b:s12+s3] =	stream.linear.scatter [tilespmem:s18], [sflag:$0x2], $0x6000, $0x38;
	[tilespmem:$0x18080] =	vst v63  }
0xd5: {  	_ =	swait.ge [sflag:s2], $0x6000  }
0xd6: {  	[sflag:s2] =	ssyncset.done $0x0  }
0xd7: {  	[sflag:s2] =	ssyncadd.s32 $0xFFFFA000  }
0xd8: {  	_ =	swait.ge [sflag:s2], $0x6000  }
0xd9: {  	[sflag:s2] =	ssyncset.done $0x0  }
0xda: {  	[sflag:s2] =	ssyncadd.s32 $0xFFFFA000  }
0xdb: {  	p0 =	sne.s32 s7, $0x1;
	_ =	swait.ge [sflag:s2], $0x6000  }
.Ltmp0:
0xdc: {  	[sflag:s2] =	ssyncset.done $0x0;
	(pc) =	sbr.rel @p0 .LBB2_1-.Ltmp0, $4  }
0xdd: {  	[sflag:s2] =	ssyncadd.s32 $0xFFFFA000  }
0xde: {  	_ =	swait.ge [sflag:s2], $0x6000  }
0xdf: {  	[sflag:s2] =	ssyncset.done $0x0  }
0xe0: {  	s7 =	sadd.s32 $0xFFFFFFFF, s7;
	[sflag:s2] =	ssyncadd.s32 $0xFFFFA000  }
0xe1: {  	_ =	sfence.sel $0x180000  }
0xe2: {  	[bflag:$0x0] =	sbarrier.arrive $0xFFFF  }
0xe3: {  	_ =	strace $0x90000047  }
0xe4: {  	s0 =	stileid.u32;
	[bflag:$0x2] =	sbarrier.arrive $0xFFFF  }
0xe5: {  	p0 =	sne.s32 s0, $0x0;
	s0 =	rddreg [dreg:$0x3]  }
0xe6: {  	s0 =	sadd.s32 @!p0 $0x100000, s0  }
0xe7: {  	[sflag:s0] =	ssyncadd.tile.s32 @!p0 $0x1;
	_ =	shalt  }
.Lfunc_end2:
_tile_overlayer_lowered:
.L_overlay_start_2:
0xe8: {  	(tag) =	ssettag $0x2  }
0xe9: {  	s0 =	rddreg [dreg:$0x0];
	s2 =	stileid.u32  }
0xea: {  	s1 =	rddreg [dreg:$0x1];
	p0 =	sne.s32 s2, $0x0  }
0xeb: {  	s3 =	rddreg [dreg:$0x2];
	[bflag:$0x3] =	sbarrier.arrive $0xFFFF;
	s2 =	simm.s32 @!p0 $0x1C03  }
0xec: {  	[timem:s3], [sflag:s2] =	dma.local @!p0 [hbm:s0], s1  }
0xed: {  	s0 =	simm.s32 @!p0 $0x3  }
0xee: {  	_ =	swait.ge @!p0 [sflag:s0], s1  }
0xef: {  	s1 =	ssub.s32 @!p0 $0x0, s1;
	[sflag:s0] =	ssyncset.done @!p0 $0x0  }
0xf0: {  	[sflag:s0] =	ssyncadd.s32 @!p0 s1  }
0xf1: {  	[bflag:$0x3] =	sbarrier.arrive $0xFFFF  }
0xf2: {  	_ =	shalt  }

</sc_bundles>
